<compile_context>
chip_gen: v7x
topology: tpu7x:2x2x1
jax: 0.10.2.dev20260603
libtpu: 0.0.44.dev20260713+nightly
codegen_flags: <defaults>
</compile_context>

<pallas_src>
import jax
import jax.numpy as jnp
from jax import lax
from jax.experimental import pallas as pl
from jax.experimental.pallas import tpu as pltpu
from jax.experimental.pallas import tpu_sc as plsc

_NROWS = 16


def _row_check_body(rs_hbm, rs_out_hbm, flag_hbm, rs_s, flag_s):
    c = lax.axis_index("c")

    @pl.when(c == 0)
    def _():
        pltpu.sync_copy(rs_hbm, rs_s)

        def step(i, acc):
            rt_len = rs_s[i + 1] - rs_s[i]
            rs_len = rs_s[i + 1] - rs_s[i]
            return acc & jnp.where(rt_len == rs_len, 1, 0).astype(jnp.int32)

        flag_s[0] = lax.fori_loop(0, _NROWS, step, jnp.int32(1))
        pltpu.sync_copy(rs_s, rs_out_hbm)
        pltpu.sync_copy(flag_s, flag_hbm)


def _row_lengths_equal_sc(row_splits):
    mesh = plsc.ScalarSubcoreMesh(axis_name="c", num_cores=1)
    rs_out, flags = pl.kernel(
        _row_check_body,
        out_type=(
            jax.ShapeDtypeStruct(row_splits.shape, jnp.int32),
            jax.ShapeDtypeStruct((_NROWS,), jnp.int32),
        ),
        mesh=mesh,
        scratch_types=[
            pltpu.SMEM(row_splits.shape, jnp.int32),
            pltpu.SMEM((_NROWS,), jnp.int32),
        ],
    )(row_splits)
    return rs_out, flags[0].astype(jnp.bool_)


def _copy_block_body(v_ref, o_ref):
    o_ref[...] = v_ref[...]


def _copy_values_tc(values):
    n, d = values.shape
    block_rows = n
    for cand_rows in (2048, 1024, 512, 256, 128, 64, 32, 16, 8, 4, 2, 1):
        if n % cand_rows == 0:
            block_rows = cand_rows
            break
    return pl.pallas_call(
        _copy_block_body,
        out_shape=jax.ShapeDtypeStruct((n, d), values.dtype),
        grid=(n // block_rows,),
        in_specs=[pl.BlockSpec((block_rows, d), lambda i: (i, 0))],
        out_specs=pl.BlockSpec((block_rows, d), lambda i: (i, 0)),
    )(values)


def kernel(values, row_splits):
    vals_out = _copy_values_tc(values)
    rs_out, flag = _row_lengths_equal_sc(row_splits)
    return (vals_out, rs_out, flag)

# --- scband reference (transcript-rebuilt; emitter-appended) ---
"""Pipeline reference for scband-my-model-87522843559486 (READ-ONLY COPY).

The authoritative reference and input builder live on the scoring server;
editing this copy changes nothing except your own understanding.
"""

import jax, jax.numpy as jnp
import numpy as np


def setup_inputs(seed: int = 0) -> dict:
    key = jax.random.key(seed)
    k1, k2 = jax.random.split(key)
    total_tokens, d, B = 32768, 1024, 16
    values = jax.random.normal(k1, (total_tokens, d), dtype=jnp.float32)
    # Build a VALID row_splits vector: sorted interior points, first=0, last=total_tokens
    inner = jnp.sort(jax.random.randint(k2, (B - 1,), 0, total_tokens, dtype=jnp.int32))
    row_splits = jnp.concatenate([
        jnp.zeros((1,), dtype=jnp.int32),
        inner,
        jnp.full((1,), total_tokens, dtype=jnp.int32),
    ])
    return {"values": values, "row_splits": row_splits}


def reference(values, row_splits):
    # MyModel.call: build RaggedStructure and RaggedTensor from (values, row_splits).
    # The ragged tensor is represented here by its (flat_values, row_splits) pair.
    # RaggedTensor.row_lengths():
    rt_row_lengths = row_splits[1:] - row_splits[:-1]
    # RaggedStructure.row_lengths():
    rs_row_lengths = row_splits[1:] - row_splits[:-1]
    row_lengths_equal = jnp.all(jnp.equal(rt_row_lengths, rs_row_lengths))
    # Output dict {'ragged_tensor': rt, 'row_lengths_equal': ...} represented as a tuple:
    # (flat_values of rt, row_splits of rt, row_lengths_equal)
    return (values, row_splits, row_lengths_equal)

if __name__ == "__main__":
    import jax
    _d = setup_inputs()
    print(jax.jit(kernel)(*tuple(_d.values())))

</pallas_src>

<mosaic_0001>
#map = affine_map<(d0) -> (0)>
module attributes {stable_mosaic.version = 14 : i64} {
  func.func @_row_check_body(%arg0: i32, %arg1: memref<17xi32, #tpu.memory_space<hbm>>, %arg2: memref<17xi32, #tpu.memory_space<hbm>>, %arg3: memref<16xi32, #tpu.memory_space<hbm>>, %arg4: memref<17xi32, #tpu.memory_space<smem>>, %arg5: memref<16xi32, #tpu.memory_space<smem>>) attributes {dimension_semantics = [#tpu.dimension_semantics<core_parallel>], iteration_bounds = array<i64: 1>, scalar_prefetch = 0 : i64, scratch_operands = 2 : i64, tpu.core_type = #tpu.core_type<sc_scalar_subcore>, window_params = [{transform_indices = #map}, {transform_indices = #map}, {transform_indices = #map}]} {
    %eq3A = arith.constant 0 : i32
    %eq3A_0 = arith.cmpi eq, %arg0, %eq3A : i32
    %convert_element_type3A = arith.extui %eq3A_0 : i1 to i32
    %cond3A = arith.constant 0 : i32
    %cond3A_1 = arith.cmpi ne, %convert_element_type3A, %cond3A : i32
    scf.if %cond3A_1 {
      "tpu.region"() ({
        %run_scoped3A = tpu.sem_alloc : memref<!tpu.dma_semaphore, #tpu.memory_space<semaphore_mem>>
        tpu.enqueue_dma source(%arg1 : memref<17xi32, #tpu.memory_space<hbm>>) target(%arg4 : memref<17xi32, #tpu.memory_space<smem>>) target_semaphore(%run_scoped3A : memref<!tpu.dma_semaphore, #tpu.memory_space<semaphore_mem>>)
        tpu.wait_dma2 semaphore(%run_scoped3A : memref<!tpu.dma_semaphore, #tpu.memory_space<semaphore_mem>>) src(%arg1 : memref<17xi32, #tpu.memory_space<hbm>>) dst(%arg4 : memref<17xi32, #tpu.memory_space<smem>>)
        tpu.yield
      }) : () -> ()
      %scan3A = arith.constant 1 : i32
      %scan3A_2 = arith.constant 0 : i32
      %scan3A_3 = arith.constant 16 : i32
      %scan3A_4 = arith.addi %scan3A_2, %scan3A_3 : i32
      %scan3A_5 = arith.constant 1 : i32
      %scan3A_6 = scf.for %scan3A_10 = %scan3A_2 to %scan3A_4 step %scan3A_5 iter_args(%scan3A_11 = %scan3A) -> (i32)  : i32 {
        %add3A = arith.constant 1 : i32
        %add3A_12 = arith.addi %scan3A_10, %add3A : i32
        %get3A = arith.index_cast %add3A_12 : i32 to index
        %get3A_13 = memref.load %arg4[%get3A] : memref<17xi32, #tpu.memory_space<smem>>
        %get3A_14 = arith.index_cast %scan3A_10 : i32 to index
        %get3A_15 = memref.load %arg4[%get3A_14] : memref<17xi32, #tpu.memory_space<smem>>
        %sub3A = arith.subi %get3A_13, %get3A_15 : i32
        %add3A_16 = arith.constant 1 : i32
        %add3A_17 = arith.addi %scan3A_10, %add3A_16 : i32
        %get3A_18 = arith.index_cast %add3A_17 : i32 to index
        %get3A_19 = memref.load %arg4[%get3A_18] : memref<17xi32, #tpu.memory_space<smem>>
        %get3A_20 = arith.index_cast %scan3A_10 : i32 to index
        %get3A_21 = memref.load %arg4[%get3A_20] : memref<17xi32, #tpu.memory_space<smem>>
        %sub3A_22 = arith.subi %get3A_19, %get3A_21 : i32
        %eq3A_23 = arith.cmpi eq, %sub3A, %sub3A_22 : i32
        %jit3A = arith.constant 1 : i32
        %jit3A_24 = arith.constant 0 : i32
        %select_n3A = arith.select %eq3A_23, %jit3A, %jit3A_24 : i32
        %and3A = arith.andi %scan3A_11, %select_n3A : i32
        scf.yield %and3A : i32
      }
      %scan3A_7 = arith.constant 16 : i32
      %swap3A = arith.constant 0 : i32
      %swap3A_8 = arith.index_cast %swap3A : i32 to index
      %swap3A_9 = memref.load %arg5[%swap3A_8] : memref<16xi32, #tpu.memory_space<smem>>
      memref.store %scan3A_6, %arg5[%swap3A_8] : memref<16xi32, #tpu.memory_space<smem>>
      "tpu.region"() ({
        %run_scoped3A = tpu.sem_alloc : memref<!tpu.dma_semaphore, #tpu.memory_space<semaphore_mem>>
        tpu.enqueue_dma source(%arg4 : memref<17xi32, #tpu.memory_space<smem>>) target(%arg2 : memref<17xi32, #tpu.memory_space<hbm>>) target_semaphore(%run_scoped3A : memref<!tpu.dma_semaphore, #tpu.memory_space<semaphore_mem>>)
        tpu.wait_dma2 semaphore(%run_scoped3A : memref<!tpu.dma_semaphore, #tpu.memory_space<semaphore_mem>>) src(%arg4 : memref<17xi32, #tpu.memory_space<smem>>) dst(%arg2 : memref<17xi32, #tpu.memory_space<hbm>>)
        tpu.yield
      }) : () -> ()
      "tpu.region"() ({
        %run_scoped3A = tpu.sem_alloc : memref<!tpu.dma_semaphore, #tpu.memory_space<semaphore_mem>>
        tpu.enqueue_dma source(%arg5 : memref<16xi32, #tpu.memory_space<smem>>) target(%arg3 : memref<16xi32, #tpu.memory_space<hbm>>) target_semaphore(%run_scoped3A : memref<!tpu.dma_semaphore, #tpu.memory_space<semaphore_mem>>)
        tpu.wait_dma2 semaphore(%run_scoped3A : memref<!tpu.dma_semaphore, #tpu.memory_space<semaphore_mem>>) src(%arg5 : memref<16xi32, #tpu.memory_space<smem>>) dst(%arg3 : memref<16xi32, #tpu.memory_space<hbm>>)
        tpu.yield
      }) : () -> ()
    } else {
    }
    return
  }
}

module attributes {stable_mosaic.version = 14 : i64} {
  func.func @_copy_block_body(%arg0: i32, %arg1: memref<2048x1024xf32, #tpu.memory_space<vmem>>, %arg2: memref<2048x1024xf32, #tpu.memory_space<vmem>>) attributes {dimension_semantics = [#tpu.dimension_semantics<arbitrary>], iteration_bounds = array<i64: 16>, scalar_prefetch = 0 : i64, scratch_operands = 0 : i64, tpu.core_type = #tpu.core_type<tc>, window_params = [{transform_indices = @transform_0, window_bounds = array<i64: 2048, 1024>}, {transform_indices = @transform_1, window_bounds = array<i64: 2048, 1024>}]} {
    %get3A = arith.constant 0 : index
    %get3A_0 = arith.constant 0 : index
    %get3A_1 = vector.load %arg1[%get3A, %get3A_0] : memref<2048x1024xf32, #tpu.memory_space<vmem>>, vector<2048x1024xf32>
    %swap3A = arith.constant 0 : index
    %swap3A_2 = arith.constant 0 : index
    %swap3A_3 = vector.load %arg2[%swap3A, %swap3A_2] : memref<2048x1024xf32, #tpu.memory_space<vmem>>, vector<2048x1024xf32>
    tpu.vector_store %arg2[%swap3A, %swap3A_2], %get3A_1 {strides = array<i32>} : memref<2048x1024xf32, #tpu.memory_space<vmem>>, vector<2048x1024xf32>,
    return
  }
  func.func @transform_0(%arg0: i32) -> (i32, i32) {
    %c0_i32 = arith.constant 0 : i32
    %c0_i32_0 = arith.constant 0 : i32
    return %arg0, %c0_i32 : i32, i32
  }
  func.func @transform_1(%arg0: i32) -> (i32, i32) {
    %c0_i32 = arith.constant 0 : i32
    %c0_i32_0 = arith.constant 0 : i32
    return %arg0, %c0_i32 : i32, i32
  }
}

</mosaic_0001>

<sc_bundles>
// kernel: kernel.4.cloned.1.call-start
scs
__scs_entry_jumppad:
0x0: {  	(pc) =	sbr.rel $0x88, $3  }
0x1: {  	(tag) =	ssettag $0x0;
	lr =	simm.s32 $0x1  }
0x2: {  	[smem:$0x3F9F] =	sst lr;
	_ =	strace $0xD0000000  }
0x3: {  	_ = 	snop  }
0x4: {  	_ = 	snop  }
0x5: {  	_ = 	snop  }
0x6: {  	_ = 	snop  }
0x7: {  	_ = 	snop  }
__scs_overlays_trampoline_lowered:
0x8: {  	[smem:$0x3FAE] =	sst s0  }
0x9: {  	[smem:$0x3FAF] =	sst s1  }
0xa: {  	[smem:$0x3FB0] =	sst s2  }
0xb: {  	[smem:$0x3FB1] =	sst s3  }
0xc: {  	[smem:$0x3FB2] =	sst s4  }
0xd: {  	[smem:$0x3FB3] =	sst s5  }
0xe: {  	[smem:$0x3FB4] =	sst s6  }
0xf: {  	[smem:$0x3FB5] =	sst s7  }
0x10: {  	[smem:$0x3FB6] =	sst s8  }
0x11: {  	[smem:$0x3FB7] =	sst s9;
	s0 =	simm.s32 @!p0 $0x0  }
0x12: {  	s1 =	sld [smem:$0x3F9D];
	s0 =	simm.s32 @p0 $0x1  }
0x13: {  	[smem:$0x3FB8] =	sst s0;
	s0 =	simm.s32 @!p1 $0x0  }
0x14: {  	s2 =	sld [smem:$0x3F9C];
	s0 =	simm.s32 @p1 $0x1  }
0x15: {  	[smem:$0x3FB9] =	sst s0;
	s0 =	simm.s32 @!p2 $0x0  }
0x16: {  	s3 =	sld [smem:$0x3FDB];
	s0 =	simm.s32 @p2 $0x1  }
0x17: {  	s4 =	simm.s32 $0x1BF5;
	[smem:$0x3FBB] =	sst s0  }
0x18: {  	s0 =	sld [smem:$0x3F9E];
	_ =	swait.ge [sflag:s4], $0x0  }
0x19: {  	s7 =	sld [smem:$0x3F9F]  }
0x1a: {  	s8 =	sadd.s32 $0xFFFFE003, lr  }
0x1b: {  	s9 =	sadd.s32 $0xFFFFFEF7, lr;
	s5 =	simm.s32 $0xFFFFFFFF;
	p2 =	slt.u32 s8, $0xFFFFF086  }
0x1c: {  	p1 =	slt.u32 s9, $0xF7A;
	s5 =	simm.s32 @!p2 $0x0  }
0x1d: {  	s5 =	simm.s32 @p1 $0x1;
	p0 =	seq.s32 s7, s2  }
0x1e: {  	s7 =	smul.u32 @!p0 $0xF7A, s2;
	p2 =	seq.s32 @!p0 s5, $0x0  }
0x1f: {  	s9 =	smul.u32 $0xF7A, s1;
	s8 =	simm.s32 @!p0 $0x1BF5;
	p2 =	por !p2, p0  }
0x20: {  	[sflag:s8] =	ssyncset.s32 @!p0 $0xFFFFF086;
	s6 =	sadd.s32 @!p0 s3, s7;
	s7 =	simm.s32 @!p0 $0x108  }
0x21: {  	s3 =	sadd.s32 s3, s9;
	s6 =	sadd.s32 @!p0 $0x88, s6;
	s7 =	simm.s32 @p2 $0x1082  }
0x22: {  	[simem:s7], [sflag:s8] =	dma.local @!p0 [hbm:s6], $0xF7A  }
0x23: {  	s9 =	sor.u32 $0xD0000000, s2;
	s6 =	simm.s32 $0x108;
	_ =	swait.ge @!p0 [sflag:s8], $0x0  }
0x24: {  	s3 =	sadd.s32 $0x88, s3;
	s6 =	simm.s32 @!p1 $0x1082;
	[sflag:s4] =	ssyncset.s32 $0xFFFFF086  }
0x25: {  	[simem:s6], [sflag:s4] =	dma.local [hbm:s3], $0xF7A  }
0x26: {  	[smem:$0x3F9F] =	sst s1;
	(tag) =	ssettag s2;
	_ =	strace s9  }
0x27: {  	s1 =	sld [smem:$0x3FAF]  }
0x28: {  	s2 =	sld [smem:$0x3FB0]  }
0x29: {  	s4 =	sld [smem:$0x3FB2]  }
0x2a: {  	p0 =	seq.s32 s5, $0x0;
	s5 =	sld [smem:$0x3FB3]  }
0x2b: {  	s6 =	sld [smem:$0x3FB4]  }
0x2c: {  	s7 =	sld [smem:$0x3FB5]  }
0x2d: {  	s3 =	simm.s32 $0x108;
	s8 =	sld [smem:$0x3FB6]  }
0x2e: {  	s3 =	simm.s32 @!p0 $0x1082;
	s9 =	sld [smem:$0x3FB7]  }
0x2f: {  	lr =	sadd.s32 s0, s3;
	s0 =	sld [smem:$0x3FAE]  }
0x30: {  	s3 =	sld [smem:$0x3FB1]  }
0x31: {  	[smem:$0x3FBA] =	sst s10  }
0x32: {  	s10 =	sld [smem:$0x3FB8];
	_ =	sdelay $0x3  }
0x33: {  	p0 =	seq.s32 s10, $0x1;
	s10 =	sld [smem:$0x3FBA];
	_ =	sdelay $0x3  }
0x34: {  	[smem:$0x3FBA] =	sst s10  }
0x35: {  	s10 =	sld [smem:$0x3FB9];
	_ =	sdelay $0x3  }
0x36: {  	p1 =	seq.s32 s10, $0x1;
	s10 =	sld [smem:$0x3FBA];
	_ =	sdelay $0x3  }
0x37: {  	[smem:$0x3FBA] =	sst s10  }
0x38: {  	s10 =	sld [smem:$0x3FBB]  }
0x39: {  	_ = 	snop;
	(pc) =	sbr.ind lr, $3  }
0x3a: {  	_ = 	snop  }
0x3b: {  	_ = 	snop  }
0x3c: {  	p2 =	seq.s32 s10, $0x1;
	s10 =	sld [smem:$0x3FBA]  }
0x3d: {  	_ =	shalt  }
0x3e: {  	_ =	shalt  }
0x3f: {  	_ =	shalt  }
0x40: {  	_ =	shalt  }
0x41: {  	_ =	shalt  }
0x42: {  	_ =	shalt  }
0x43: {  	_ =	shalt  }
0x44: {  	_ =	shalt  }
0x45: {  	_ =	shalt  }
0x46: {  	_ =	shalt  }
0x47: {  	_ =	shalt  }
0x48: {  	_ =	shalt  }
0x49: {  	_ =	shalt  }
0x4a: {  	_ =	shalt  }
0x4b: {  	_ =	shalt  }
0x4c: {  	_ =	shalt  }
0x4d: {  	_ =	shalt  }
0x4e: {  	_ =	shalt  }
0x4f: {  	_ =	shalt  }
0x50: {  	_ =	shalt  }
0x51: {  	_ =	shalt  }
0x52: {  	_ =	shalt  }
0x53: {  	_ =	shalt  }
0x54: {  	_ =	shalt  }
0x55: {  	_ =	shalt  }
0x56: {  	_ =	shalt  }
0x57: {  	_ =	shalt  }
0x58: {  	_ =	shalt  }
0x59: {  	_ =	shalt  }
0x5a: {  	_ =	shalt  }
0x5b: {  	_ =	shalt  }
0x5c: {  	_ =	shalt  }
0x5d: {  	_ =	shalt  }
0x5e: {  	_ =	shalt  }
0x5f: {  	_ =	shalt  }
0x60: {  	_ =	shalt  }
0x61: {  	_ =	shalt  }
0x62: {  	_ =	shalt  }
0x63: {  	_ =	shalt  }
0x64: {  	_ =	shalt  }
0x65: {  	_ =	shalt  }
0x66: {  	_ =	shalt  }
0x67: {  	_ =	shalt  }
0x68: {  	_ =	shalt  }
0x69: {  	_ =	shalt  }
0x6a: {  	_ =	shalt  }
0x6b: {  	_ =	shalt  }
0x6c: {  	_ =	shalt  }
0x6d: {  	_ =	shalt  }
0x6e: {  	_ =	shalt  }
0x6f: {  	_ =	shalt  }
0x70: {  	_ =	shalt  }
0x71: {  	_ =	shalt  }
0x72: {  	_ =	shalt  }
0x73: {  	_ =	shalt  }
0x74: {  	_ =	shalt  }
0x75: {  	_ =	shalt  }
0x76: {  	_ =	shalt  }
0x77: {  	_ =	shalt  }
0x78: {  	_ =	shalt  }
0x79: {  	_ =	shalt  }
0x7a: {  	_ =	shalt  }
0x7b: {  	_ =	shalt  }
0x7c: {  	_ =	shalt  }
0x7d: {  	_ =	shalt  }
0x7e: {  	_ =	shalt  }
0x7f: {  	_ =	shalt  }
0x80: {  	_ =	shalt  }
0x81: {  	_ =	shalt  }
0x82: {  	_ =	shalt  }
0x83: {  	_ =	shalt  }
0x84: {  	_ =	shalt  }
0x85: {  	_ =	shalt  }
0x86: {  	_ =	shalt  }
0x87: {  	_ =	shalt  }
.Lfunc_end0:
.L_simem_size_0:
called_computation_lowered:
.L_overlay_start_0:
0x88: {  	s0 =	sld [smem:$0x3FD9]  }
0x89: {  	s1 =	sld [smem:$0x3FFE];
	_ =	sdelay $0x3  }
0x8a: {  	s0 =	sadd.s32 s1, s0  }
0x8b: {  	[smem:$0x3FC6] =	sst s0  }
0x8c: {  	_ = 	snop  }
0x8d: {  	s0 =	sld [smem:$0x3FD0];
	_ =	sdelay $0x2  }
0x8e: {  	s2 =	simm.s32 $0xA;
	s3 =	simm.s32 $0x110;
	s17 =	sld [smem:$0x3FC8]  }
0x8f: {  	[smem:s3], [sflag:s2] =	dma.local [hbm:s0], $0x1  }
0x90: {  	_ =	swait.eq [sflag:s2], $0x1  }
0x91: {  	[sflag:s2] =	ssyncset.done $0x0  }
0x92: {  	[sflag:s2] =	ssyncadd.s32 $0xFFFFFFFF  }
0x93: {  	s18 =	sld [smem:$0x111];
	(tm) =	ssettm $0x1  }
0x94: {  	s19 =	sld [smem:$0x3FFB];
	_ =	sdelay $0x3  }
0x95: {  	_ =	strace s19  }
0x96: {  	s2 =	sld [smem:$0x3FFC];
	_ =	sdelay $0x3  }
0x97: {  	_ =	strace s2  }
0x98: {  	s2 =	sld [smem:$0x3FFD];
	_ =	sdelay $0x3  }
0x99: {  	_ =	strace s2  }
0x9a: {  	s20 =	simm.s32 $0x1B8B;
	_ =	strace $0x8FFFFFFF  }
0x9b: {  	_ =	swait.ge [sflag:s20], $0x1  }
0x9c: {  	[sflag:s20] =	ssyncset.done $0x0  }
0x9d: {  	s22 =	simm.s32 $0x1B8E;
	[sflag:s20] =	ssyncadd.s32 $0xFFFFFFFF  }
0x9e: {  	s23 =	simm.s32 $0x9;
	[smem:$0x3FD2] =	sst s22  }
0x9f: {  	s4 =	simm.s32 $0x10;
	s21 =	sld [smem:$0x3FFE];
	_ =	strace $0x80000046  }
0xa0: {  	[smem:s4], [sflag:s23] =	dma.local [hbm:s17], $0x10  }
0xa1: {  	_ =	swait.ge [sflag:s23], $0x10  }
0xa2: {  	[sflag:s23] =	ssyncset.done $0x0  }
0xa3: {  	s24 =	simm.s32 $0x1;
	[sflag:s23] =	ssyncadd.s32 $0xFFFFFFF0  }
0xa4: {  	[smem:$0x90] =	sst s24  }
0xa5: {  	[hbm:s18], [sflag:s23] =	dma.local [smem:s4], $0x10  }
0xa6: {  	_ =	swait.ge [sflag:s23], $0x10  }
0xa7: {  	[sflag:s23] =	ssyncset.done $0x0  }
0xa8: {  	[sflag:s23] =	ssyncadd.s32 $0xFFFFFFF0  }
0xa9: {  	s26 =	simm.s32 $0x90;
	s25 =	sadd.s32 $0x800, s21  }
0xaa: {  	[hbm:s25], [sflag:s23] =	dma.local [smem:s26], $0x10  }
0xab: {  	_ =	swait.ge [sflag:s23], $0x10  }
0xac: {  	[sflag:s23] =	ssyncset.done $0x0  }
0xad: {  	[sflag:s23] =	ssyncadd.s32 $0xFFFFFFF0  }
0xae: {  	_ =	strace $0x90000046  }
0xaf: {  	_ =	sfence  }
0xb0: {  	s28 =	sld [smem:$0x0];
	_ =	sdelay $0x1  }
0xb1: {  	s29 =	srdreg.scid  }
0xb2: {  	s30 =	sshll.u32 s29, $0xD;
	s31 =	sshrl.u32 s29, $0x2  }
0xb3: {  	s1 =	sand.u32 $0x1, s29;
	s2 =	sand.u32 $0x4000, s30;
	s0 =	sadd.s32 s31, s28  }
0xb4: {  	s1 =	sor.u32 s2, s1;
	s0 =	sshll.u32 s0, $0x11  }
0xb5: {  	s0 =	sor.u32 s0, s1  }
0xb6: {  	s0 =	sadd.s32 $0x8F2B, s0;
	(pc) =	sbr.abs _section_cstart, $3  }
0xb7: {  	[sflag:s0] =	ssyncadd.remote.s32 $0x1  }
0xb8: {  	_ =	strace $0x9FFFFFFF  }
0xb9: {  	(tm) =	ssettm $0x7FFFFFFF  }

</sc_bundles>
